<compile_context>
chip_gen: v7x
topology: tpu7x:2x2x1
jax: 0.10.2.dev20260603
libtpu: 0.0.44.dev20260713+nightly
codegen_flags: <defaults>
</compile_context>

<pallas_src>
import functools

import jax
import jax.numpy as jnp
from jax import lax
from jax.experimental import pallas as pl
from jax.experimental.pallas import tpu as pltpu
from jax.experimental.pallas import tpu_sc as plsc

N = 36864
D = 64
C = 1024
R = 4096
NB = N // R
BETA = 0.25

NW = 32
BPW = N // NW
CHUNK = 128
NCH = BPW // CHUNK


def _vq_body(z_ref, cbt_ref, cb_ref, idx_ref, bc_ref, loss_ref,
             cbnt_ref, baug_ref):
    i = pl.program_id(0)

    @pl.when(i == 0)
    def _init():
        cbt = cbt_ref[...]
        n = jnp.sqrt(jnp.sum(cbt * cbt, axis=0, keepdims=True))
        cbnt_ref[...] = cbt / jnp.maximum(n, 1e-12)
        iota = lax.broadcasted_iota(jnp.int32, (C, 32), 0)
        baug_ref[:, 0:32] = jnp.right_shift(iota, 8).astype(jnp.float32)
        baug_ref[:, 32:64] = jnp.bitwise_and(iota, 255).astype(jnp.float32)
        cb = cb_ref[...]
        nsq = jnp.sum(cb * cb, axis=1, keepdims=True)
        baug_ref[:, 64:96] = jnp.broadcast_to(nsq, (C, 32))
        baug_ref[:, 96:128] = jnp.broadcast_to(jnp.sqrt(nsq), (C, 32))
        bc_ref[...] = jnp.zeros_like(bc_ref)
        loss_ref[...] = jnp.zeros_like(loss_ref)

    zb = z_ref[...]
    zn = jnp.sqrt(jnp.sum(zb * zb, axis=1, keepdims=True))
    znorm = zb / jnp.maximum(zn, 1e-12)
    d = lax.dot_general(znorm, cbnt_ref[...], (((1,), (0,)), ((), ())),
                        precision=lax.Precision.DEFAULT,
                        preferred_element_type=jnp.float32)
    m = jnp.max(d, axis=1, keepdims=True)
    eqf = jnp.where(d == m, 1.0, 0.0).astype(jnp.float32)
    p = lax.dot_general(eqf, baug_ref[...], (((1,), (0,)), ((), ())),
                        precision=lax.Precision.DEFAULT,
                        preferred_element_type=jnp.float32)
    idx_ref[...] = p[:, 0:1] * 256.0 + p[:, 32:33]
    loss_rows = zn * zn - 2.0 * m * zn * p[:, 96:97] + p[:, 64:65]
    loss_ref[...] = loss_ref[...] + jnp.sum(loss_rows).reshape(1, 1)
    bc_ref[...] = bc_ref[...] + jnp.sum(eqf, axis=0, keepdims=True)


def _sc_gather_body(cb_hbm, idx_hbm, out_hbm, idx_v, rows_v, sem):
    c = lax.axis_index("c")
    s = lax.axis_index("s")
    wid = s * 2 + c
    pltpu.sync_copy(idx_hbm.at[wid], idx_v)
    descs = []
    for j in range(NCH):
        descs.append(pltpu.async_copy(
            cb_hbm.at[idx_v.at[j]],
            rows_v.at[pl.ds(j * CHUNK, CHUNK)], sem))
    for dsc in descs:
        dsc.wait()
    pltpu.sync_copy(rows_v, out_hbm.at[pl.ds(wid * BPW, BPW)])


def kernel(z, codebook):
    z_flat = z.reshape(N, D)
    cbt = codebook.T
    idxf, bc, loss_sum = pl.pallas_call(
        _vq_body,
        grid=(NB,),
        in_specs=[
            pl.BlockSpec((R, D), lambda i: (i, 0)),
            pl.BlockSpec((D, C), lambda i: (0, 0)),
            pl.BlockSpec((C, D), lambda i: (0, 0)),
        ],
        out_specs=[
            pl.BlockSpec((R, 1), lambda i: (i, 0)),
            pl.BlockSpec((1, C), lambda i: (0, 0)),
            pl.BlockSpec((1, 1), lambda i: (0, 0)),
        ],
        out_shape=[
            jax.ShapeDtypeStruct((N, 1), jnp.float32),
            jax.ShapeDtypeStruct((1, C), jnp.float32),
            jax.ShapeDtypeStruct((1, 1), jnp.float32),
        ],
        scratch_shapes=[
            pltpu.VMEM((D, C), jnp.float32),
            pltpu.VMEM((C, 128), jnp.float32),
        ],
        compiler_params=pltpu.CompilerParams(
            dimension_semantics=("arbitrary",)),
    )(z_flat, cbt, codebook)

    encoding_indices = idxf[:, 0].astype(jnp.int32)
    idx3 = jnp.minimum(encoding_indices, C - 1).reshape(NW, NCH, CHUNK)

    mesh = plsc.VectorSubcoreMesh(core_axis_name="c", subcore_axis_name="s")
    zq_flat = functools.partial(
        pl.kernel,
        mesh=mesh,
        out_type=jax.ShapeDtypeStruct((N, D), jnp.float32),
        scratch_types=[
            pltpu.VMEM((NCH, CHUNK), jnp.int32),
            pltpu.VMEM((BPW, D), jnp.float32),
            pltpu.SemaphoreType.DMA,
        ],
        compiler_params=pltpu.CompilerParams(use_tc_tiling_on_sc=False),
    )(_sc_gather_body)(codebook, idx3)

    z_q_st = zq_flat.reshape(z.shape)
    mean_sq = loss_sum[0, 0] / (N * D)
    loss = BETA * mean_sq + mean_sq
    bin_count = bc[0].astype(jnp.int32)
    return z_q_st, loss, encoding_indices, bin_count

# --- scband reference (transcript-rebuilt; emitter-appended) ---
"""Pipeline reference for scband-vector-quantizer-62294205662007 (READ-ONLY COPY).

The authoritative reference and input builder live on the scoring server;
editing this copy changes nothing except your own understanding.
"""

import jax, jax.numpy as jnp
import numpy as np

EMBED_NUM = 1024
EMBED_DIM = 64
BETA = 0.25


def _normalize(x, axis):
    n = jnp.sqrt(jnp.sum(x * x, axis=axis, keepdims=True))
    return x / jnp.maximum(n, 1e-12)


def setup_inputs(seed: int = 0) -> dict:
    key = jax.random.key(seed)
    k1, k2 = jax.random.split(key)
    z = jax.random.normal(k1, (64, 24, 24, 64), dtype=jnp.float32)
    # embedding.weight.data.uniform_(-1/embed_num, 1/embed_num)
    codebook = jax.random.uniform(
        k2, (EMBED_NUM, EMBED_DIM), dtype=jnp.float32,
        minval=-1.0 / EMBED_NUM, maxval=1.0 / EMBED_NUM)
    return {"z": z, "codebook": codebook}


def reference(z, codebook):
    # preprocess: split_type == 'fixed' -> flatten to (-1, embed_dim)
    z_flattened = z.reshape(-1, EMBED_DIM)
    # distance == 'cos': cosine similarity between (detached) z and codebook
    normed_z = _normalize(jax.lax.stop_gradient(z_flattened), 1)
    normed_codebook = _normalize(codebook, 1)
    d = jnp.einsum('bd,nd->bn', normed_z, normed_codebook)
    # encoding: nearest code = max cosine similarity (sort ascending, take last)
    encoding_indices = jnp.argmax(d, axis=1)
    # quantize (one-hot @ codebook == embedding lookup) and unflatten
    z_q = jnp.take(codebook, encoding_indices, axis=0).reshape(z.shape)
    # commitment + codebook loss (return_loss_dict=False -> scalar)
    loss = (BETA * jnp.mean((jax.lax.stop_gradient(z_q) - z) ** 2)
            + jnp.mean((z_q - jax.lax.stop_gradient(z)) ** 2))
    # straight-through estimator
    z_q_st = z + jax.lax.stop_gradient(z_q - z)
    # code usage counts
    bin_count = jnp.bincount(encoding_indices, length=EMBED_NUM)
    return z_q_st, loss, encoding_indices, bin_count

if __name__ == "__main__":
    import jax
    _d = setup_inputs()
    print(jax.jit(kernel)(*tuple(_d.values())))

</pallas_src>

<mosaic_0001>
#map = affine_map<(d0, d1) -> (0, 0)>
#map1 = affine_map<(d0, d1) -> (0, 0, 0)>
module attributes {stable_mosaic.version = 14 : i64} {
  func.func @_sc_gather_body(%arg0: i32, %arg1: i32, %arg2: memref<1024x64xf32, #tpu.memory_space<hbm>>, %arg3: memref<32x9x128xi32, #tpu.memory_space<hbm>>, %arg4: memref<36864x64xf32, #tpu.memory_space<hbm>>, %arg5: memref<9x128xi32, #tpu.memory_space<vmem>>, %arg6: memref<1152x64xf32, #tpu.memory_space<vmem>>, %arg7: memref<!tpu.dma_semaphore, #tpu.memory_space<semaphore_mem>>) attributes {dimension_semantics = [#tpu.dimension_semantics<core_parallel>, #tpu.dimension_semantics<subcore_parallel>], iteration_bounds = array<i64: 2, 16>, scalar_prefetch = 0 : i64, scratch_operands = 3 : i64, tpu.core_type = #tpu.core_type<sc_vector_subcore>, window_params = [{transform_indices = #map}, {transform_indices = #map1}, {transform_indices = #map}]} {
    %mul3A = arith.constant 2 : i32
    %mul3A_0 = arith.muli %arg1, %mul3A : i32
    %add3A = arith.addi %mul3A_0, %arg0 : i32
    "tpu.region"() ({
      %run_scoped3A = tpu.sem_alloc : memref<!tpu.dma_semaphore, #tpu.memory_space<semaphore_mem>>
      %dma_start3A_181 = arith.constant 0 : i32
      %dma_start3A_182 = arith.constant 0 : i32
      %dma_start3A_183 = tpu.memref_slice %arg3[%add3A, %dma_start3A_181, %dma_start3A_182] : memref<32x9x128xi32, #tpu.memory_space<hbm>> -> memref<1x9x128xi32, #tpu.memory_space<hbm>>
      %dma_start3A_184 = tpu.memref_squeeze %dma_start3A_183 : memref<1x9x128xi32, #tpu.memory_space<hbm>> -> memref<9x128xi32, #tpu.memory_space<hbm>>
      %dma_start3A_185 = arith.constant 0 : i32
      %dma_start3A_186 = arith.constant 0 : i32
      %dma_start3A_187 = tpu.memref_slice %arg3[%add3A, %dma_start3A_185, %dma_start3A_186] : memref<32x9x128xi32, #tpu.memory_space<hbm>> -> memref<1x9x128xi32, #tpu.memory_space<hbm>>
      %dma_start3A_188 = tpu.memref_squeeze %dma_start3A_187 : memref<1x9x128xi32, #tpu.memory_space<hbm>> -> memref<9x128xi32, #tpu.memory_space<hbm>>
      tpu.enqueue_dma source(%dma_start3A_188 : memref<9x128xi32, #tpu.memory_space<hbm>>) target(%arg5 : memref<9x128xi32, #tpu.memory_space<vmem>>) target_semaphore(%run_scoped3A : memref<!tpu.dma_semaphore, #tpu.memory_space<semaphore_mem>>)
      %dma_wait3A_189 = arith.constant 0 : i32
      %dma_wait3A_190 = arith.constant 0 : i32
      %dma_wait3A_191 = tpu.memref_slice %arg3[%add3A, %dma_wait3A_189, %dma_wait3A_190] : memref<32x9x128xi32, #tpu.memory_space<hbm>> -> memref<1x9x128xi32, #tpu.memory_space<hbm>>
      %dma_wait3A_192 = tpu.memref_squeeze %dma_wait3A_191 : memref<1x9x128xi32, #tpu.memory_space<hbm>> -> memref<9x128xi32, #tpu.memory_space<hbm>>
      %dma_wait3A_193 = arith.constant 0 : i32
      %dma_wait3A_194 = arith.constant 0 : i32
      %dma_wait3A_195 = tpu.memref_slice %arg3[%add3A, %dma_wait3A_193, %dma_wait3A_194] : memref<32x9x128xi32, #tpu.memory_space<hbm>> -> memref<1x9x128xi32, #tpu.memory_space<hbm>>
      %dma_wait3A_196 = tpu.memref_squeeze %dma_wait3A_195 : memref<1x9x128xi32, #tpu.memory_space<hbm>> -> memref<9x128xi32, #tpu.memory_space<hbm>>
      tpu.wait_dma2 semaphore(%run_scoped3A : memref<!tpu.dma_semaphore, #tpu.memory_space<semaphore_mem>>) src(%dma_wait3A_196 : memref<9x128xi32, #tpu.memory_space<hbm>>) dst(%arg5 : memref<9x128xi32, #tpu.memory_space<vmem>>)
      tpu.yield
    }) : () -> ()
    %dma_start3A = arith.constant 0 : i32
    %dma_start3A_1 = arith.constant 0 : i32
    %dma_start3A_2 = arith.constant 0 : i32
    %dma_start3A_3 = tpu.memref_slice %arg6[%dma_start3A_1, %dma_start3A_2] : memref<1152x64xf32, #tpu.memory_space<vmem>> -> memref<128x64xf32, #tpu.memory_space<vmem>>
    %dma_start3A_4 = arith.constant 0 : i32
    %dma_start3A_5 = tpu.memref_slice %arg5[%dma_start3A, %dma_start3A_4] : memref<9x128xi32, #tpu.memory_space<vmem>> -> memref<1x128xi32, #tpu.memory_space<vmem>>
    %dma_start3A_6 = tpu.memref_squeeze %dma_start3A_5 : memref<1x128xi32, #tpu.memory_space<vmem>> -> memref<128xi32, #tpu.memory_space<vmem>>
    %dma_start3A_7 = arith.constant 0 : i32
    %dma_start3A_8 = arith.constant 0 : i32
    %dma_start3A_9 = tpu.memref_slice %arg2[%dma_start3A_7, %dma_start3A_8] : memref<1024x64xf32, #tpu.memory_space<hbm>> -> memref<1024x64xf32, #tpu.memory_space<hbm>>
    tpu.enqueue_indirect_dma source(%dma_start3A_9 : memref<1024x64xf32, #tpu.memory_space<hbm>>) target(%dma_start3A_3 : memref<128x64xf32, #tpu.memory_space<vmem>>) offsets(%dma_start3A_6 : memref<128xi32, #tpu.memory_space<vmem>>) semaphore(%arg7 : memref<!tpu.dma_semaphore, #tpu.memory_space<semaphore_mem>>)
    %dma_start3A_10 = arith.constant 1 : i32
    %dma_start3A_11 = arith.constant 128 : i32
    %dma_start3A_12 = arith.constant 0 : i32
    %dma_start3A_13 = tpu.memref_slice %arg6[%dma_start3A_11, %dma_start3A_12] : memref<1152x64xf32, #tpu.memory_space<vmem>> -> memref<128x64xf32, #tpu.memory_space<vmem>>
    %dma_start3A_14 = arith.constant 0 : i32
    %dma_start3A_15 = tpu.memref_slice %arg5[%dma_start3A_10, %dma_start3A_14] : memref<9x128xi32, #tpu.memory_space<vmem>> -> memref<1x128xi32, #tpu.memory_space<vmem>>
    %dma_start3A_16 = tpu.memref_squeeze %dma_start3A_15 : memref<1x128xi32, #tpu.memory_space<vmem>> -> memref<128xi32, #tpu.memory_space<vmem>>
    %dma_start3A_17 = arith.constant 0 : i32
    %dma_start3A_18 = arith.constant 0 : i32
    %dma_start3A_19 = tpu.memref_slice %arg2[%dma_start3A_17, %dma_start3A_18] : memref<1024x64xf32, #tpu.memory_space<hbm>> -> memref<1024x64xf32, #tpu.memory_space<hbm>>
    tpu.enqueue_indirect_dma source(%dma_start3A_19 : memref<1024x64xf32, #tpu.memory_space<hbm>>) target(%dma_start3A_13 : memref<128x64xf32, #tpu.memory_space<vmem>>) offsets(%dma_start3A_16 : memref<128xi32, #tpu.memory_space<vmem>>) semaphore(%arg7 : memref<!tpu.dma_semaphore, #tpu.memory_space<semaphore_mem>>)
    %dma_start3A_20 = arith.constant 2 : i32
    %dma_start3A_21 = arith.constant 256 : i32
    %dma_start3A_22 = arith.constant 0 : i32
    %dma_start3A_23 = tpu.memref_slice %arg6[%dma_start3A_21, %dma_start3A_22] : memref<1152x64xf32, #tpu.memory_space<vmem>> -> memref<128x64xf32, #tpu.memory_space<vmem>>
    %dma_start3A_24 = arith.constant 0 : i32
    %dma_start3A_25 = tpu.memref_slice %arg5[%dma_start3A_20, %dma_start3A_24] : memref<9x128xi32, #tpu.memory_space<vmem>> -> memref<1x128xi32, #tpu.memory_space<vmem>>
    %dma_start3A_26 = tpu.memref_squeeze %dma_start3A_25 : memref<1x128xi32, #tpu.memory_space<vmem>> -> memref<128xi32, #tpu.memory_space<vmem>>
    %dma_start3A_27 = arith.constant 0 : i32
    %dma_start3A_28 = arith.constant 0 : i32
    %dma_start3A_29 = tpu.memref_slice %arg2[%dma_start3A_27, %dma_start3A_28] : memref<1024x64xf32, #tpu.memory_space<hbm>> -> memref<1024x64xf32, #tpu.memory_space<hbm>>
    tpu.enqueue_indirect_dma source(%dma_start3A_29 : memref<1024x64xf32, #tpu.memory_space<hbm>>) target(%dma_start3A_23 : memref<128x64xf32, #tpu.memory_space<vmem>>) offsets(%dma_start3A_26 : memref<128xi32, #tpu.memory_space<vmem>>) semaphore(%arg7 : memref<!tpu.dma_semaphore, #tpu.memory_space<semaphore_mem>>)
    %dma_start3A_30 = arith.constant 3 : i32
    %dma_start3A_31 = arith.constant 384 : i32
    %dma_start3A_32 = arith.constant 0 : i32
    %dma_start3A_33 = tpu.memref_slice %arg6[%dma_start3A_31, %dma_start3A_32] : memref<1152x64xf32, #tpu.memory_space<vmem>> -> memref<128x64xf32, #tpu.memory_space<vmem>>
    %dma_start3A_34 = arith.constant 0 : i32
    %dma_start3A_35 = tpu.memref_slice %arg5[%dma_start3A_30, %dma_start3A_34] : memref<9x128xi32, #tpu.memory_space<vmem>> -> memref<1x128xi32, #tpu.memory_space<vmem>>
    %dma_start3A_36 = tpu.memref_squeeze %dma_start3A_35 : memref<1x128xi32, #tpu.memory_space<vmem>> -> memref<128xi32, #tpu.memory_space<vmem>>
    %dma_start3A_37 = arith.constant 0 : i32
    %dma_start3A_38 = arith.constant 0 : i32
    %dma_start3A_39 = tpu.memref_slice %arg2[%dma_start3A_37, %dma_start3A_38] : memref<1024x64xf32, #tpu.memory_space<hbm>> -> memref<1024x64xf32, #tpu.memory_space<hbm>>
    tpu.enqueue_indirect_dma source(%dma_start3A_39 : memref<1024x64xf32, #tpu.memory_space<hbm>>) target(%dma_start3A_33 : memref<128x64xf32, #tpu.memory_space<vmem>>) offsets(%dma_start3A_36 : memref<128xi32, #tpu.memory_space<vmem>>) semaphore(%arg7 : memref<!tpu.dma_semaphore, #tpu.memory_space<semaphore_mem>>)
    %dma_start3A_40 = arith.constant 4 : i32
    %dma_start3A_41 = arith.constant 512 : i32
    %dma_start3A_42 = arith.constant 0 : i32
    %dma_start3A_43 = tpu.memref_slice %arg6[%dma_start3A_41, %dma_start3A_42] : memref<1152x64xf32, #tpu.memory_space<vmem>> -> memref<128x64xf32, #tpu.memory_space<vmem>>
    %dma_start3A_44 = arith.constant 0 : i32
    %dma_start3A_45 = tpu.memref_slice %arg5[%dma_start3A_40, %dma_start3A_44] : memref<9x128xi32, #tpu.memory_space<vmem>> -> memref<1x128xi32, #tpu.memory_space<vmem>>
    %dma_start3A_46 = tpu.memref_squeeze %dma_start3A_45 : memref<1x128xi32, #tpu.memory_space<vmem>> -> memref<128xi32, #tpu.memory_space<vmem>>
    %dma_start3A_47 = arith.constant 0 : i32
    %dma_start3A_48 = arith.constant 0 : i32
    %dma_start3A_49 = tpu.memref_slice %arg2[%dma_start3A_47, %dma_start3A_48] : memref<1024x64xf32, #tpu.memory_space<hbm>> -> memref<1024x64xf32, #tpu.memory_space<hbm>>
    tpu.enqueue_indirect_dma source(%dma_start3A_49 : memref<1024x64xf32, #tpu.memory_space<hbm>>) target(%dma_start3A_43 : memref<128x64xf32, #tpu.memory_space<vmem>>) offsets(%dma_start3A_46 : memref<128xi32, #tpu.memory_space<vmem>>) semaphore(%arg7 : memref<!tpu.dma_semaphore, #tpu.memory_space<semaphore_mem>>)
    %dma_start3A_50 = arith.constant 5 : i32
    %dma_start3A_51 = arith.constant 640 : i32
    %dma_start3A_52 = arith.constant 0 : i32
    %dma_start3A_53 = tpu.memref_slice %arg6[%dma_start3A_51, %dma_start3A_52] : memref<1152x64xf32, #tpu.memory_space<vmem>> -> memref<128x64xf32, #tpu.memory_space<vmem>>
    %dma_start3A_54 = arith.constant 0 : i32
    %dma_start3A_55 = tpu.memref_slice %arg5[%dma_start3A_50, %dma_start3A_54] : memref<9x128xi32, #tpu.memory_space<vmem>> -> memref<1x128xi32, #tpu.memory_space<vmem>>
    %dma_start3A_56 = tpu.memref_squeeze %dma_start3A_55 : memref<1x128xi32, #tpu.memory_space<vmem>> -> memref<128xi32, #tpu.memory_space<vmem>>
    %dma_start3A_57 = arith.constant 0 : i32
    %dma_start3A_58 = arith.constant 0 : i32
    %dma_start3A_59 = tpu.memref_slice %arg2[%dma_start3A_57, %dma_start3A_58] : memref<1024x64xf32, #tpu.memory_space<hbm>> -> memref<1024x64xf32, #tpu.memory_space<hbm>>
    tpu.enqueue_indirect_dma source(%dma_start3A_59 : memref<1024x64xf32, #tpu.memory_space<hbm>>) target(%dma_start3A_53 : memref<128x64xf32, #tpu.memory_space<vmem>>) offsets(%dma_start3A_56 : memref<128xi32, #tpu.memory_space<vmem>>) semaphore(%arg7 : memref<!tpu.dma_semaphore, #tpu.memory_space<semaphore_mem>>)
    %dma_start3A_60 = arith.constant 6 : i32
    %dma_start3A_61 = arith.constant 768 : i32
    %dma_start3A_62 = arith.constant 0 : i32
    %dma_start3A_63 = tpu.memref_slice %arg6[%dma_start3A_61, %dma_start3A_62] : memref<1152x64xf32, #tpu.memory_space<vmem>> -> memref<128x64xf32, #tpu.memory_space<vmem>>
    %dma_start3A_64 = arith.constant 0 : i32
    %dma_start3A_65 = tpu.memref_slice %arg5[%dma_start3A_60, %dma_start3A_64] : memref<9x128xi32, #tpu.memory_space<vmem>> -> memref<1x128xi32, #tpu.memory_space<vmem>>
    %dma_start3A_66 = tpu.memref_squeeze %dma_start3A_65 : memref<1x128xi32, #tpu.memory_space<vmem>> -> memref<128xi32, #tpu.memory_space<vmem>>
    %dma_start3A_67 = arith.constant 0 : i32
    %dma_start3A_68 = arith.constant 0 : i32
    %dma_start3A_69 = tpu.memref_slice %arg2[%dma_start3A_67, %dma_start3A_68] : memref<1024x64xf32, #tpu.memory_space<hbm>> -> memref<1024x64xf32, #tpu.memory_space<hbm>>
    tpu.enqueue_indirect_dma source(%dma_start3A_69 : memref<1024x64xf32, #tpu.memory_space<hbm>>) target(%dma_start3A_63 : memref<128x64xf32, #tpu.memory_space<vmem>>) offsets(%dma_start3A_66 : memref<128xi32, #tpu.memory_space<vmem>>) semaphore(%arg7 : memref<!tpu.dma_semaphore, #tpu.memory_space<semaphore_mem>>)
    %dma_start3A_70 = arith.constant 7 : i32
    %dma_start3A_71 = arith.constant 896 : i32
    %dma_start3A_72 = arith.constant 0 : i32
    %dma_start3A_73 = tpu.memref_slice %arg6[%dma_start3A_71, %dma_start3A_72] : memref<1152x64xf32, #tpu.memory_space<vmem>> -> memref<128x64xf32, #tpu.memory_space<vmem>>
    %dma_start3A_74 = arith.constant 0 : i32
    %dma_start3A_75 = tpu.memref_slice %arg5[%dma_start3A_70, %dma_start3A_74] : memref<9x128xi32, #tpu.memory_space<vmem>> -> memref<1x128xi32, #tpu.memory_space<vmem>>
    %dma_start3A_76 = tpu.memref_squeeze %dma_start3A_75 : memref<1x128xi32, #tpu.memory_space<vmem>> -> memref<128xi32, #tpu.memory_space<vmem>>
    %dma_start3A_77 = arith.constant 0 : i32
    %dma_start3A_78 = arith.constant 0 : i32
    %dma_start3A_79 = tpu.memref_slice %arg2[%dma_start3A_77, %dma_start3A_78] : memref<1024x64xf32, #tpu.memory_space<hbm>> -> memref<1024x64xf32, #tpu.memory_space<hbm>>
    tpu.enqueue_indirect_dma source(%dma_start3A_79 : memref<1024x64xf32, #tpu.memory_space<hbm>>) target(%dma_start3A_73 : memref<128x64xf32, #tpu.memory_space<vmem>>) offsets(%dma_start3A_76 : memref<128xi32, #tpu.memory_space<vmem>>) semaphore(%arg7 : memref<!tpu.dma_semaphore, #tpu.memory_space<semaphore_mem>>)
    %dma_start3A_80 = arith.constant 8 : i32
    %dma_start3A_81 = arith.constant 1024 : i32
    %dma_start3A_82 = arith.constant 0 : i32
    %dma_start3A_83 = tpu.memref_slice %arg6[%dma_start3A_81, %dma_start3A_82] : memref<1152x64xf32, #tpu.memory_space<vmem>> -> memref<128x64xf32, #tpu.memory_space<vmem>>
    %dma_start3A_84 = arith.constant 0 : i32
    %dma_start3A_85 = tpu.memref_slice %arg5[%dma_start3A_80, %dma_start3A_84] : memref<9x128xi32, #tpu.memory_space<vmem>> -> memref<1x128xi32, #tpu.memory_space<vmem>>
    %dma_start3A_86 = tpu.memref_squeeze %dma_start3A_85 : memref<1x128xi32, #tpu.memory_space<vmem>> -> memref<128xi32, #tpu.memory_space<vmem>>
    %dma_start3A_87 = arith.constant 0 : i32
    %dma_start3A_88 = arith.constant 0 : i32
    %dma_start3A_89 = tpu.memref_slice %arg2[%dma_start3A_87, %dma_start3A_88] : memref<1024x64xf32, #tpu.memory_space<hbm>> -> memref<1024x64xf32, #tpu.memory_space<hbm>>
    tpu.enqueue_indirect_dma source(%dma_start3A_89 : memref<1024x64xf32, #tpu.memory_space<hbm>>) target(%dma_start3A_83 : memref<128x64xf32, #tpu.memory_space<vmem>>) offsets(%dma_start3A_86 : memref<128xi32, #tpu.memory_space<vmem>>) semaphore(%arg7 : memref<!tpu.dma_semaphore, #tpu.memory_space<semaphore_mem>>)
    %dma_wait3A = arith.constant 0 : i32
    %dma_wait3A_90 = arith.constant 0 : i32
    %dma_wait3A_91 = arith.constant 0 : i32
    %dma_wait3A_92 = tpu.memref_slice %arg6[%dma_wait3A_90, %dma_wait3A_91] : memref<1152x64xf32, #tpu.memory_space<vmem>> -> memref<128x64xf32, #tpu.memory_space<vmem>>
    %dma_wait3A_93 = arith.constant 0 : i32
    %dma_wait3A_94 = tpu.memref_slice %arg5[%dma_wait3A, %dma_wait3A_93] : memref<9x128xi32, #tpu.memory_space<vmem>> -> memref<1x128xi32, #tpu.memory_space<vmem>>
    %dma_wait3A_95 = tpu.memref_squeeze %dma_wait3A_94 : memref<1x128xi32, #tpu.memory_space<vmem>> -> memref<128xi32, #tpu.memory_space<vmem>>
    %dma_wait3A_96 = arith.constant 0 : i32
    %dma_wait3A_97 = arith.constant 0 : i32
    %dma_wait3A_98 = tpu.memref_slice %arg2[%dma_wait3A_96, %dma_wait3A_97] : memref<1024x64xf32, #tpu.memory_space<hbm>> -> memref<1024x64xf32, #tpu.memory_space<hbm>>
    tpu.wait_indirect_dma semaphore(%arg7 : memref<!tpu.dma_semaphore, #tpu.memory_space<semaphore_mem>>) src(%dma_wait3A_98 : memref<1024x64xf32, #tpu.memory_space<hbm>>) dst(%dma_wait3A_92 : memref<128x64xf32, #tpu.memory_space<vmem>>)
    %dma_wait3A_99 = arith.constant 1 : i32
    %dma_wait3A_100 = arith.constant 128 : i32
    %dma_wait3A_101 = arith.constant 0 : i32
    %dma_wait3A_102 = tpu.memref_slice %arg6[%dma_wait3A_100, %dma_wait3A_101] : memref<1152x64xf32, #tpu.memory_space<vmem>> -> memref<128x64xf32, #tpu.memory_space<vmem>>
    %dma_wait3A_103 = arith.constant 0 : i32
    %dma_wait3A_104 = tpu.memref_slice %arg5[%dma_wait3A_99, %dma_wait3A_103] : memref<9x128xi32, #tpu.memory_space<vmem>> -> memref<1x128xi32, #tpu.memory_space<vmem>>
    %dma_wait3A_105 = tpu.memref_squeeze %dma_wait3A_104 : memref<1x128xi32, #tpu.memory_space<vmem>> -> memref<128xi32, #tpu.memory_space<vmem>>
    %dma_wait3A_106 = arith.constant 0 : i32
    %dma_wait3A_107 = arith.constant 0 : i32
    %dma_wait3A_108 = tpu.memref_slice %arg2[%dma_wait3A_106, %dma_wait3A_107] : memref<1024x64xf32, #tpu.memory_space<hbm>> -> memref<1024x64xf32, #tpu.memory_space<hbm>>
    tpu.wait_indirect_dma semaphore(%arg7 : memref<!tpu.dma_semaphore, #tpu.memory_space<semaphore_mem>>) src(%dma_wait3A_108 : memref<1024x64xf32, #tpu.memory_space<hbm>>) dst(%dma_wait3A_102 : memref<128x64xf32, #tpu.memory_space<vmem>>)
    %dma_wait3A_109 = arith.constant 2 : i32
    %dma_wait3A_110 = arith.constant 256 : i32
    %dma_wait3A_111 = arith.constant 0 : i32
    %dma_wait3A_112 = tpu.memref_slice %arg6[%dma_wait3A_110, %dma_wait3A_111] : memref<1152x64xf32, #tpu.memory_space<vmem>> -> memref<128x64xf32, #tpu.memory_space<vmem>>
    %dma_wait3A_113 = arith.constant 0 : i32
    %dma_wait3A_114 = tpu.memref_slice %arg5[%dma_wait3A_109, %dma_wait3A_113] : memref<9x128xi32, #tpu.memory_space<vmem>> -> memref<1x128xi32, #tpu.memory_space<vmem>>
    %dma_wait3A_115 = tpu.memref_squeeze %dma_wait3A_114 : memref<1x128xi32, #tpu.memory_space<vmem>> -> memref<128xi32, #tpu.memory_space<vmem>>
    %dma_wait3A_116 = arith.constant 0 : i32
    %dma_wait3A_117 = arith.constant 0 : i32
    %dma_wait3A_118 = tpu.memref_slice %arg2[%dma_wait3A_116, %dma_wait3A_117] : memref<1024x64xf32, #tpu.memory_space<hbm>> -> memref<1024x64xf32, #tpu.memory_space<hbm>>
    tpu.wait_indirect_dma semaphore(%arg7 : memref<!tpu.dma_semaphore, #tpu.memory_space<semaphore_mem>>) src(%dma_wait3A_118 : memref<1024x64xf32, #tpu.memory_space<hbm>>) dst(%dma_wait3A_112 : memref<128x64xf32, #tpu.memory_space<vmem>>)
    %dma_wait3A_119 = arith.constant 3 : i32
    %dma_wait3A_120 = arith.constant 384 : i32
    %dma_wait3A_121 = arith.constant 0 : i32
    %dma_wait3A_122 = tpu.memref_slice %arg6[%dma_wait3A_120, %dma_wait3A_121] : memref<1152x64xf32, #tpu.memory_space<vmem>> -> memref<128x64xf32, #tpu.memory_space<vmem>>
    %dma_wait3A_123 = arith.constant 0 : i32
    %dma_wait3A_124 = tpu.memref_slice %arg5[%dma_wait3A_119, %dma_wait3A_123] : memref<9x128xi32, #tpu.memory_space<vmem>> -> memref<1x128xi32, #tpu.memory_space<vmem>>
    %dma_wait3A_125 = tpu.memref_squeeze %dma_wait3A_124 : memref<1x128xi32, #tpu.memory_space<vmem>> -> memref<128xi32, #tpu.memory_space<vmem>>
    %dma_wait3A_126 = arith.constant 0 : i32
    %dma_wait3A_127 = arith.constant 0 : i32
    %dma_wait3A_128 = tpu.memref_slice %arg2[%dma_wait3A_126, %dma_wait3A_127] : memref<1024x64xf32, #tpu.memory_space<hbm>> -> memref<1024x64xf32, #tpu.memory_space<hbm>>
    tpu.wait_indirect_dma semaphore(%arg7 : memref<!tpu.dma_semaphore, #tpu.memory_space<semaphore_mem>>) src(%dma_wait3A_128 : memref<1024x64xf32, #tpu.memory_space<hbm>>) dst(%dma_wait3A_122 : memref<128x64xf32, #tpu.memory_space<vmem>>)
    %dma_wait3A_129 = arith.constant 4 : i32
    %dma_wait3A_130 = arith.constant 512 : i32
    %dma_wait3A_131 = arith.constant 0 : i32
    %dma_wait3A_132 = tpu.memref_slice %arg6[%dma_wait3A_130, %dma_wait3A_131] : memref<1152x64xf32, #tpu.memory_space<vmem>> -> memref<128x64xf32, #tpu.memory_space<vmem>>
    %dma_wait3A_133 = arith.constant 0 : i32
    %dma_wait3A_134 = tpu.memref_slice %arg5[%dma_wait3A_129, %dma_wait3A_133] : memref<9x128xi32, #tpu.memory_space<vmem>> -> memref<1x128xi32, #tpu.memory_space<vmem>>
    %dma_wait3A_135 = tpu.memref_squeeze %dma_wait3A_134 : memref<1x128xi32, #tpu.memory_space<vmem>> -> memref<128xi32, #tpu.memory_space<vmem>>
    %dma_wait3A_136 = arith.constant 0 : i32
    %dma_wait3A_137 = arith.constant 0 : i32
    %dma_wait3A_138 = tpu.memref_slice %arg2[%dma_wait3A_136, %dma_wait3A_137] : memref<1024x64xf32, #tpu.memory_space<hbm>> -> memref<1024x64xf32, #tpu.memory_space<hbm>>
    tpu.wait_indirect_dma semaphore(%arg7 : memref<!tpu.dma_semaphore, #tpu.memory_space<semaphore_mem>>) src(%dma_wait3A_138 : memref<1024x64xf32, #tpu.memory_space<hbm>>) dst(%dma_wait3A_132 : memref<128x64xf32, #tpu.memory_space<vmem>>)
    %dma_wait3A_139 = arith.constant 5 : i32
    %dma_wait3A_140 = arith.constant 640 : i32
    %dma_wait3A_141 = arith.constant 0 : i32
    %dma_wait3A_142 = tpu.memref_slice %arg6[%dma_wait3A_140, %dma_wait3A_141] : memref<1152x64xf32, #tpu.memory_space<vmem>> -> memref<128x64xf32, #tpu.memory_space<vmem>>
    %dma_wait3A_143 = arith.constant 0 : i32
    %dma_wait3A_144 = tpu.memref_slice %arg5[%dma_wait3A_139, %dma_wait3A_143] : memref<9x128xi32, #tpu.memory_space<vmem>> -> memref<1x128xi32, #tpu.memory_space<vmem>>
    %dma_wait3A_145 = tpu.memref_squeeze %dma_wait3A_144 : memref<1x128xi32, #tpu.memory_space<vmem>> -> memref<128xi32, #tpu.memory_space<vmem>>
    %dma_wait3A_146 = arith.constant 0 : i32
    %dma_wait3A_147 = arith.constant 0 : i32
    %dma_wait3A_148 = tpu.memref_slice %arg2[%dma_wait3A_146, %dma_wait3A_147] : memref<1024x64xf32, #tpu.memory_space<hbm>> -> memref<1024x64xf32, #tpu.memory_space<hbm>>
    tpu.wait_indirect_dma semaphore(%arg7 : memref<!tpu.dma_semaphore, #tpu.memory_space<semaphore_mem>>) src(%dma_wait3A_148 : memref<1024x64xf32, #tpu.memory_space<hbm>>) dst(%dma_wait3A_142 : memref<128x64xf32, #tpu.memory_space<vmem>>)
    %dma_wait3A_149 = arith.constant 6 : i32
    %dma_wait3A_150 = arith.constant 768 : i32
    %dma_wait3A_151 = arith.constant 0 : i32
    %dma_wait3A_152 = tpu.memref_slice %arg6[%dma_wait3A_150, %dma_wait3A_151] : memref<1152x64xf32, #tpu.memory_space<vmem>> -> memref<128x64xf32, #tpu.memory_space<vmem>>
    %dma_wait3A_153 = arith.constant 0 : i32
    %dma_wait3A_154 = tpu.memref_slice %arg5[%dma_wait3A_149, %dma_wait3A_153] : memref<9x128xi32, #tpu.memory_space<vmem>> -> memref<1x128xi32, #tpu.memory_space<vmem>>
    %dma_wait3A_155 = tpu.memref_squeeze %dma_wait3A_154 : memref<1x128xi32, #tpu.memory_space<vmem>> -> memref<128xi32, #tpu.memory_space<vmem>>
    %dma_wait3A_156 = arith.constant 0 : i32
    %dma_wait3A_157 = arith.constant 0 : i32
    %dma_wait3A_158 = tpu.memref_slice %arg2[%dma_wait3A_156, %dma_wait3A_157] : memref<1024x64xf32, #tpu.memory_space<hbm>> -> memref<1024x64xf32, #tpu.memory_space<hbm>>
    tpu.wait_indirect_dma semaphore(%arg7 : memref<!tpu.dma_semaphore, #tpu.memory_space<semaphore_mem>>) src(%dma_wait3A_158 : memref<1024x64xf32, #tpu.memory_space<hbm>>) dst(%dma_wait3A_152 : memref<128x64xf32, #tpu.memory_space<vmem>>)
    %dma_wait3A_159 = arith.constant 7 : i32
    %dma_wait3A_160 = arith.constant 896 : i32
    %dma_wait3A_161 = arith.constant 0 : i32
    %dma_wait3A_162 = tpu.memref_slice %arg6[%dma_wait3A_160, %dma_wait3A_161] : memref<1152x64xf32, #tpu.memory_space<vmem>> -> memref<128x64xf32, #tpu.memory_space<vmem>>
    %dma_wait3A_163 = arith.constant 0 : i32
    %dma_wait3A_164 = tpu.memref_slice %arg5[%dma_wait3A_159, %dma_wait3A_163] : memref<9x128xi32, #tpu.memory_space<vmem>> -> memref<1x128xi32, #tpu.memory_space<vmem>>
    %dma_wait3A_165 = tpu.memref_squeeze %dma_wait3A_164 : memref<1x128xi32, #tpu.memory_space<vmem>> -> memref<128xi32, #tpu.memory_space<vmem>>
    %dma_wait3A_166 = arith.constant 0 : i32
    %dma_wait3A_167 = arith.constant 0 : i32
    %dma_wait3A_168 = tpu.memref_slice %arg2[%dma_wait3A_166, %dma_wait3A_167] : memref<1024x64xf32, #tpu.memory_space<hbm>> -> memref<1024x64xf32, #tpu.memory_space<hbm>>
    tpu.wait_indirect_dma semaphore(%arg7 : memref<!tpu.dma_semaphore, #tpu.memory_space<semaphore_mem>>) src(%dma_wait3A_168 : memref<1024x64xf32, #tpu.memory_space<hbm>>) dst(%dma_wait3A_162 : memref<128x64xf32, #tpu.memory_space<vmem>>)
    %dma_wait3A_169 = arith.constant 8 : i32
    %dma_wait3A_170 = arith.constant 1024 : i32
    %dma_wait3A_171 = arith.constant 0 : i32
    %dma_wait3A_172 = tpu.memref_slice %arg6[%dma_wait3A_170, %dma_wait3A_171] : memref<1152x64xf32, #tpu.memory_space<vmem>> -> memref<128x64xf32, #tpu.memory_space<vmem>>
    %dma_wait3A_173 = arith.constant 0 : i32
    %dma_wait3A_174 = tpu.memref_slice %arg5[%dma_wait3A_169, %dma_wait3A_173] : memref<9x128xi32, #tpu.memory_space<vmem>> -> memref<1x128xi32, #tpu.memory_space<vmem>>
    %dma_wait3A_175 = tpu.memref_squeeze %dma_wait3A_174 : memref<1x128xi32, #tpu.memory_space<vmem>> -> memref<128xi32, #tpu.memory_space<vmem>>
    %dma_wait3A_176 = arith.constant 0 : i32
    %dma_wait3A_177 = arith.constant 0 : i32
    %dma_wait3A_178 = tpu.memref_slice %arg2[%dma_wait3A_176, %dma_wait3A_177] : memref<1024x64xf32, #tpu.memory_space<hbm>> -> memref<1024x64xf32, #tpu.memory_space<hbm>>
    tpu.wait_indirect_dma semaphore(%arg7 : memref<!tpu.dma_semaphore, #tpu.memory_space<semaphore_mem>>) src(%dma_wait3A_178 : memref<1024x64xf32, #tpu.memory_space<hbm>>) dst(%dma_wait3A_172 : memref<128x64xf32, #tpu.memory_space<vmem>>)
    %mul3A_179 = arith.constant 1152 : i32
    %mul3A_180 = arith.muli %add3A, %mul3A_179 : i32
    "tpu.region"() ({
      %run_scoped3A = tpu.sem_alloc : memref<!tpu.dma_semaphore, #tpu.memory_space<semaphore_mem>>
      %dma_start3A_181 = arith.constant 0 : i32
      %dma_start3A_182 = tpu.memref_slice %arg4[%mul3A_180, %dma_start3A_181] : memref<36864x64xf32, #tpu.memory_space<hbm>> -> memref<1152x64xf32, #tpu.memory_space<hbm>>
      %dma_start3A_183 = arith.constant 0 : i32
      %dma_start3A_184 = tpu.memref_slice %arg4[%mul3A_180, %dma_start3A_183] : memref<36864x64xf32, #tpu.memory_space<hbm>> -> memref<1152x64xf32, #tpu.memory_space<hbm>>
      tpu.enqueue_dma source(%arg6 : memref<1152x64xf32, #tpu.memory_space<vmem>>) target(%dma_start3A_184 : memref<1152x64xf32, #tpu.memory_space<hbm>>) target_semaphore(%run_scoped3A : memref<!tpu.dma_semaphore, #tpu.memory_space<semaphore_mem>>)
      %dma_wait3A_185 = arith.constant 0 : i32
      %dma_wait3A_186 = tpu.memref_slice %arg4[%mul3A_180, %dma_wait3A_185] : memref<36864x64xf32, #tpu.memory_space<hbm>> -> memref<1152x64xf32, #tpu.memory_space<hbm>>
      %dma_wait3A_187 = arith.constant 0 : i32
      %dma_wait3A_188 = tpu.memref_slice %arg4[%mul3A_180, %dma_wait3A_187] : memref<36864x64xf32, #tpu.memory_space<hbm>> -> memref<1152x64xf32, #tpu.memory_space<hbm>>
      tpu.wait_dma2 semaphore(%run_scoped3A : memref<!tpu.dma_semaphore, #tpu.memory_space<semaphore_mem>>) src(%arg6 : memref<1152x64xf32, #tpu.memory_space<vmem>>) dst(%dma_wait3A_188 : memref<1152x64xf32, #tpu.memory_space<hbm>>)
      tpu.yield
    }) : () -> ()
    return
  }
}

module attributes {stable_mosaic.version = 14 : i64} {
  func.func @_vq_body(%arg0: i32, %arg1: memref<4096x64xf32, #tpu.memory_space<vmem>>, %arg2: memref<64x1024xf32, #tpu.memory_space<vmem>>, %arg3: memref<1024x64xf32, #tpu.memory_space<vmem>>, %arg4: memref<4096x1xf32, #tpu.memory_space<vmem>>, %arg5: memref<1x1024xf32, #tpu.memory_space<vmem>>, %arg6: memref<1x1xf32, #tpu.memory_space<vmem>>, %arg7: memref<64x1024xf32, #tpu.memory_space<vmem>>, %arg8: memref<1024x128xf32, #tpu.memory_space<vmem>>) attributes {dimension_semantics = [#tpu.dimension_semantics<arbitrary>], iteration_bounds = array<i64: 9>, scalar_prefetch = 0 : i64, scratch_operands = 2 : i64, tpu.core_type = #tpu.core_type<tc>, window_params = [{transform_indices = @transform_0, window_bounds = array<i64: 4096, 64>}, {pipeline_mode = #tpu.pipeline_mode<synchronous>, transform_indices = @transform_1, window_bounds = array<i64: 64, 1024>}, {pipeline_mode = #tpu.pipeline_mode<synchronous>, transform_indices = @transform_2, window_bounds = array<i64: 1024, 64>}, {transform_indices = @transform_3, window_bounds = array<i64: 4096, 1>}, {pipeline_mode = #tpu.pipeline_mode<synchronous>, transform_indices = @transform_4, window_bounds = array<i64: 1, 1024>}, {pipeline_mode = #tpu.pipeline_mode<synchronous>, transform_indices = @transform_5, window_bounds = array<i64: 1, 1>}]} {
    %eq3A = arith.constant 0 : i32
    %eq3A_0 = arith.cmpi eq, %arg0, %eq3A : i32
    %convert_element_type3A = arith.extui %eq3A_0 : i1 to i32
    %cond3A = arith.constant 0 : i32
    %cond3A_1 = arith.cmpi ne, %convert_element_type3A, %cond3A : i32
    scf.if %cond3A_1 {
      %get3A_61 = arith.constant 0 : index
      %get3A_62 = arith.constant 0 : index
      %get3A_63 = vector.load %arg2[%get3A_61, %get3A_62] : memref<64x1024xf32, #tpu.memory_space<vmem>>, vector<64x1024xf32>
      %mul3A_64 = arith.mulf %get3A_63, %get3A_63 : vector<64x1024xf32>
      %reduce_sum3A_65 = arith.constant dense<0.000000e+00> : vector<1024xf32>
      %reduce_sum3A_66 = vector.multi_reduction <add>, %mul3A_64, %reduce_sum3A_65 [0] : vector<64x1024xf32> to vector<1024xf32>
      %broadcast_in_dim3A_67 = vector.shape_cast %reduce_sum3A_66 : vector<1024xf32> to vector<1x1024xf32>
      %sqrt3A_68 = math.sqrt %broadcast_in_dim3A_67 : vector<1x1024xf32>
      %max3A_69 = arith.constant 9.99999996E-13 : f32
      %max3A_70 = vector.broadcast %max3A_69 : f32 to vector<1x1024xf32>
      %max3A_71 = arith.maximumf %sqrt3A_68, %max3A_70 : vector<1x1024xf32>
      %div3A_72 = vector.broadcast %max3A_71 : vector<1x1024xf32> to vector<64x1024xf32>
      %div3A_73 = arith.divf %get3A_63, %div3A_72 : vector<64x1024xf32>
      %swap3A_74 = arith.constant 0 : index
      %swap3A_75 = arith.constant 0 : index
      %swap3A_76 = vector.load %arg7[%swap3A_74, %swap3A_75] : memref<64x1024xf32, #tpu.memory_space<vmem>>, vector<64x1024xf32>
      tpu.vector_store %arg7[%swap3A_74, %swap3A_75], %div3A_73 {strides = array<i32>} : memref<64x1024xf32, #tpu.memory_space<vmem>>, vector<64x1024xf32>,
      %iota3A = tpu.iota {dimensions = array<i32: 0>} : vector<1024x32xi32>
      %shift_right_arithmetic3A = arith.constant 8 : i32
      %shift_right_arithmetic3A_77 = vector.broadcast %shift_right_arithmetic3A : i32 to vector<1024x32xi32>
      %shift_right_arithmetic3A_78 = arith.shrsi %iota3A, %shift_right_arithmetic3A_77 : vector<1024x32xi32>
      %convert_element_type3A_79 = arith.sitofp %shift_right_arithmetic3A_78 : vector<1024x32xi32> to vector<1024x32xf32>
      %swap3A_80 = arith.constant 0 : index
      %swap3A_81 = arith.constant 0 : index
      %swap3A_82 = vector.load %arg8[%swap3A_80, %swap3A_81] : memref<1024x128xf32, #tpu.memory_space<vmem>>, vector<1024x32xf32>
      tpu.vector_store %arg8[%swap3A_80, %swap3A_81], %convert_element_type3A_79 {strides = array<i32>} : memref<1024x128xf32, #tpu.memory_space<vmem>>, vector<1024x32xf32>,
      %and3A = arith.constant 255 : i32
      %and3A_83 = vector.broadcast %and3A : i32 to vector<1024x32xi32>
      %and3A_84 = arith.andi %iota3A, %and3A_83 : vector<1024x32xi32>
      %convert_element_type3A_85 = arith.sitofp %and3A_84 : vector<1024x32xi32> to vector<1024x32xf32>
      %swap3A_86 = arith.constant 0 : index
      %swap3A_87 = arith.constant 32 : index
      %swap3A_88 = vector.load %arg8[%swap3A_86, %swap3A_87] : memref<1024x128xf32, #tpu.memory_space<vmem>>, vector<1024x32xf32>
      tpu.vector_store %arg8[%swap3A_86, %swap3A_87], %convert_element_type3A_85 {strides = array<i32>} : memref<1024x128xf32, #tpu.memory_space<vmem>>, vector<1024x32xf32>,
      %get3A_89 = arith.constant 0 : index
      %get3A_90 = arith.constant 0 : index
      %get3A_91 = vector.load %arg3[%get3A_89, %get3A_90] : memref<1024x64xf32, #tpu.memory_space<vmem>>, vector<1024x64xf32>
      %mul3A_92 = arith.mulf %get3A_91, %get3A_91 : vector<1024x64xf32>
      %reduce_sum3A_93 = arith.constant dense<0.000000e+00> : vector<1024xf32>
      %reduce_sum3A_94 = vector.multi_reduction <add>, %mul3A_92, %reduce_sum3A_93 [1] : vector<1024x64xf32> to vector<1024xf32>
      %broadcast_in_dim3A_95 = vector.shape_cast %reduce_sum3A_94 : vector<1024xf32> to vector<1024x1xf32>
      %broadcast_in_dim3A_96 = vector.shape_cast %broadcast_in_dim3A_95 : vector<1024x1xf32> to vector<1024x1xf32>
      %broadcast_in_dim3A_97 = vector.broadcast %broadcast_in_dim3A_96 : vector<1024x1xf32> to vector<1024x32xf32>
      %swap3A_98 = arith.constant 0 : index
      %swap3A_99 = arith.constant 64 : index
      %swap3A_100 = vector.load %arg8[%swap3A_98, %swap3A_99] : memref<1024x128xf32, #tpu.memory_space<vmem>>, vector<1024x32xf32>
      tpu.vector_store %arg8[%swap3A_98, %swap3A_99], %broadcast_in_dim3A_97 {strides = array<i32>} : memref<1024x128xf32, #tpu.memory_space<vmem>>, vector<1024x32xf32>,
      %sqrt3A_101 = math.sqrt %broadcast_in_dim3A_95 : vector<1024x1xf32>
      %broadcast_in_dim3A_102 = vector.shape_cast %sqrt3A_101 : vector<1024x1xf32> to vector<1024x1xf32>
      %broadcast_in_dim3A_103 = vector.broadcast %broadcast_in_dim3A_102 : vector<1024x1xf32> to vector<1024x32xf32>
      %swap3A_104 = arith.constant 0 : index
      %swap3A_105 = arith.constant 96 : index
      %swap3A_106 = vector.load %arg8[%swap3A_104, %swap3A_105] : memref<1024x128xf32, #tpu.memory_space<vmem>>, vector<1024x32xf32>
      tpu.vector_store %arg8[%swap3A_104, %swap3A_105], %broadcast_in_dim3A_103 {strides = array<i32>} : memref<1024x128xf32, #tpu.memory_space<vmem>>, vector<1024x32xf32>,
      %broadcast_in_dim3A_107 = arith.constant 0.000000e+00 : f32
      %broadcast_in_dim3A_108 = vector.broadcast %broadcast_in_dim3A_107 : f32 to vector<1x1024xf32>
      %swap3A_109 = arith.constant 0 : index
      %swap3A_110 = arith.constant 0 : index
      %swap3A_111 = vector.load %arg5[%swap3A_109, %swap3A_110] : memref<1x1024xf32, #tpu.memory_space<vmem>>, vector<1x1024xf32>
      tpu.vector_store %arg5[%swap3A_109, %swap3A_110], %broadcast_in_dim3A_108 {strides = array<i32>} : memref<1x1024xf32, #tpu.memory_space<vmem>>, vector<1x1024xf32>,
      %broadcast_in_dim3A_112 = arith.constant 0.000000e+00 : f32
      %broadcast_in_dim3A_113 = vector.broadcast %broadcast_in_dim3A_112 : f32 to vector<1x1xf32>
      %swap3A_114 = arith.constant 0 : index
      %swap3A_115 = arith.constant 0 : index
      %swap3A_116 = vector.load %arg6[%swap3A_114, %swap3A_115] : memref<1x1xf32, #tpu.memory_space<vmem>>, vector<1x1xf32>
      tpu.vector_store %arg6[%swap3A_114, %swap3A_115], %broadcast_in_dim3A_113 {strides = array<i32>} : memref<1x1xf32, #tpu.memory_space<vmem>>, vector<1x1xf32>,
    } else {
    }
    %get3A = arith.constant 0 : index
    %get3A_2 = arith.constant 0 : index
    %get3A_3 = vector.load %arg1[%get3A, %get3A_2] : memref<4096x64xf32, #tpu.memory_space<vmem>>, vector<4096x64xf32>
    %mul3A = arith.mulf %get3A_3, %get3A_3 : vector<4096x64xf32>
    %reduce_sum3A = arith.constant dense<0.000000e+00> : vector<4096xf32>
    %reduce_sum3A_4 = vector.multi_reduction <add>, %mul3A, %reduce_sum3A [1] : vector<4096x64xf32> to vector<4096xf32>
    %broadcast_in_dim3A = vector.shape_cast %reduce_sum3A_4 : vector<4096xf32> to vector<4096x1xf32>
    %sqrt3A = math.sqrt %broadcast_in_dim3A : vector<4096x1xf32>
    %max3A = arith.constant 9.99999996E-13 : f32
    %max3A_5 = vector.broadcast %max3A : f32 to vector<4096x1xf32>
    %max3A_6 = arith.maximumf %sqrt3A, %max3A_5 : vector<4096x1xf32>
    %div3A = vector.broadcast %max3A_6 : vector<4096x1xf32> to vector<4096x64xf32>
    %div3A_7 = arith.divf %get3A_3, %div3A : vector<4096x64xf32>
    %get3A_8 = arith.constant 0 : index
    %get3A_9 = arith.constant 0 : index
    %get3A_10 = vector.load %arg7[%get3A_8, %get3A_9] : memref<64x1024xf32, #tpu.memory_space<vmem>>, vector<64x1024xf32>
    %dot_general3A = arith.constant dense<0.000000e+00> : vector<4096x1024xf32>
    %dot_general3A_11 = tpu.matmul %div3A_7, %get3A_10, %dot_general3A {dimension_numbers = #tpu.dot_dimension_numbers<[1], [0], [0], [1], [0, 0, 1, 1], [], []>, transpose_lhs_hint = false} : vector<4096x64xf32>, vector<64x1024xf32>, vector<4096x1024xf32> -> vector<4096x1024xf32>
    %reduce_max3A = arith.constant dense<0xFF800000> : vector<4096xf32>
    %reduce_max3A_12 = vector.multi_reduction <maximumf>, %dot_general3A_11, %reduce_max3A [1] : vector<4096x1024xf32> to vector<4096xf32>
    %broadcast_in_dim3A_13 = vector.shape_cast %reduce_max3A_12 : vector<4096xf32> to vector<4096x1xf32>
    %eq3A_14 = vector.broadcast %broadcast_in_dim3A_13 : vector<4096x1xf32> to vector<4096x1024xf32>
    %eq3A_15 = arith.cmpf oeq, %dot_general3A_11, %eq3A_14 : vector<4096x1024xf32>
    %jit3A = arith.constant 1.000000e+00 : f32
    %jit3A_16 = arith.constant 0.000000e+00 : f32
    %broadcast_in_dim3A_17 = vector.broadcast %jit3A : f32 to vector<4096x1024xf32>
    %broadcast_in_dim3A_18 = vector.broadcast %jit3A_16 : f32 to vector<4096x1024xf32>
    %select_n3A = arith.select %eq3A_15, %broadcast_in_dim3A_17, %broadcast_in_dim3A_18 : vector<4096x1024xi1>, vector<4096x1024xf32>
    %get3A_19 = arith.constant 0 : index
    %get3A_20 = arith.constant 0 : index
    %get3A_21 = vector.load %arg8[%get3A_19, %get3A_20] : memref<1024x128xf32, #tpu.memory_space<vmem>>, vector<1024x128xf32>
    %dot_general3A_22 = arith.constant dense<0.000000e+00> : vector<4096x128xf32>
    %dot_general3A_23 = tpu.matmul %select_n3A, %get3A_21, %dot_general3A_22 {dimension_numbers = #tpu.dot_dimension_numbers<[1], [0], [0], [1], [0, 0, 1, 1], [], []>, transpose_lhs_hint = false} : vector<4096x1024xf32>, vector<1024x128xf32>, vector<4096x128xf32> -> vector<4096x128xf32>
    %slice3A = vector.extract_strided_slice %dot_general3A_23 {offsets = [0, 0], sizes = [4096, 1], strides = [1, 1]} : vector<4096x128xf32> to vector<4096x1xf32>
    %mul3A_24 = arith.constant 2.560000e+02 : f32
    %mul3A_25 = vector.broadcast %mul3A_24 : f32 to vector<4096x1xf32>
    %mul3A_26 = arith.mulf %slice3A, %mul3A_25 : vector<4096x1xf32>
    %slice3A_27 = vector.extract_strided_slice %dot_general3A_23 {offsets = [0, 32], sizes = [4096, 1], strides = [1, 1]} : vector<4096x128xf32> to vector<4096x1xf32>
    %add3A = arith.addf %mul3A_26, %slice3A_27 : vector<4096x1xf32>
    %swap3A = arith.constant 0 : index
    %swap3A_28 = arith.constant 0 : index
    %swap3A_29 = vector.load %arg4[%swap3A, %swap3A_28] : memref<4096x1xf32, #tpu.memory_space<vmem>>, vector<4096x1xf32>
    tpu.vector_store %arg4[%swap3A, %swap3A_28], %add3A {strides = array<i32>} : memref<4096x1xf32, #tpu.memory_space<vmem>>, vector<4096x1xf32>,
    %mul3A_30 = arith.mulf %sqrt3A, %sqrt3A : vector<4096x1xf32>
    %mul3A_31 = arith.constant 2.000000e+00 : f32
    %mul3A_32 = vector.broadcast %mul3A_31 : f32 to vector<4096x1xf32>
    %mul3A_33 = arith.mulf %mul3A_32, %broadcast_in_dim3A_13 : vector<4096x1xf32>
    %mul3A_34 = arith.mulf %mul3A_33, %sqrt3A : vector<4096x1xf32>
    %slice3A_35 = vector.extract_strided_slice %dot_general3A_23 {offsets = [0, 96], sizes = [4096, 1], strides = [1, 1]} : vector<4096x128xf32> to vector<4096x1xf32>
    %mul3A_36 = arith.mulf %mul3A_34, %slice3A_35 : vector<4096x1xf32>
    %sub3A = arith.subf %mul3A_30, %mul3A_36 : vector<4096x1xf32>
    %slice3A_37 = vector.extract_strided_slice %dot_general3A_23 {offsets = [0, 64], sizes = [4096, 1], strides = [1, 1]} : vector<4096x128xf32> to vector<4096x1xf32>
    %add3A_38 = arith.addf %sub3A, %slice3A_37 : vector<4096x1xf32>
    %get3A_39 = arith.constant 0 : index
    %get3A_40 = arith.constant 0 : index
    %get3A_41 = vector.load %arg6[%get3A_39, %get3A_40] : memref<1x1xf32, #tpu.memory_space<vmem>>, vector<1x1xf32>
    %reduce_sum3A_42 = vector.shape_cast %add3A_38 : vector<4096x1xf32> to vector<1x4096x1xf32>
    %reduce_sum3A_43 = arith.constant dense<0.000000e+00> : vector<1xf32>
    %reduce_sum3A_44 = vector.multi_reduction <add>, %reduce_sum3A_42, %reduce_sum3A_43 [1, 2] : vector<1x4096x1xf32> to vector<1xf32>
    %reduce_sum3A_45 = vector.shape_cast %reduce_sum3A_44 : vector<1xf32> to vector<1x1x1xf32>
    %reduce_sum3A_46 = vector.extract %reduce_sum3A_45[0, 0, 0] : f32 from vector<1x1x1xf32>
    %reshape3A = vector.broadcast %reduce_sum3A_46 : f32 to vector<1x1xf32>
    %add3A_47 = arith.addf %get3A_41, %reshape3A : vector<1x1xf32>
    %swap3A_48 = arith.constant 0 : index
    %swap3A_49 = arith.constant 0 : index
    %swap3A_50 = vector.load %arg6[%swap3A_48, %swap3A_49] : memref<1x1xf32, #tpu.memory_space<vmem>>, vector<1x1xf32>
    tpu.vector_store %arg6[%swap3A_48, %swap3A_49], %add3A_47 {strides = array<i32>} : memref<1x1xf32, #tpu.memory_space<vmem>>, vector<1x1xf32>,
    %get3A_51 = arith.constant 0 : index
    %get3A_52 = arith.constant 0 : index
    %get3A_53 = vector.load %arg5[%get3A_51, %get3A_52] : memref<1x1024xf32, #tpu.memory_space<vmem>>, vector<1x1024xf32>
    %reduce_sum3A_54 = arith.constant dense<0.000000e+00> : vector<1024xf32>
    %reduce_sum3A_55 = vector.multi_reduction <add>, %select_n3A, %reduce_sum3A_54 [0] : vector<4096x1024xf32> to vector<1024xf32>
    %broadcast_in_dim3A_56 = vector.shape_cast %reduce_sum3A_55 : vector<1024xf32> to vector<1x1024xf32>
    %add3A_57 = arith.addf %get3A_53, %broadcast_in_dim3A_56 : vector<1x1024xf32>
    %swap3A_58 = arith.constant 0 : index
    %swap3A_59 = arith.constant 0 : index
    %swap3A_60 = vector.load %arg5[%swap3A_58, %swap3A_59] : memref<1x1024xf32, #tpu.memory_space<vmem>>, vector<1x1024xf32>
    tpu.vector_store %arg5[%swap3A_58, %swap3A_59], %add3A_57 {strides = array<i32>} : memref<1x1024xf32, #tpu.memory_space<vmem>>, vector<1x1024xf32>,
    return
  }
  func.func @transform_0(%arg0: i32) -> (i32, i32) {
    %c0_i32 = arith.constant 0 : i32
    %c0_i32_0 = arith.constant 0 : i32
    return %arg0, %c0_i32 : i32, i32
  }
  func.func @transform_1(%arg0: i32) -> (i32, i32) {
    %c0_i32 = arith.constant 0 : i32
    %c0_i32_0 = arith.constant 0 : i32
    %c0_i32_1 = arith.constant 0 : i32
    return %c0_i32, %c0_i32_0 : i32, i32
  }
  func.func @transform_2(%arg0: i32) -> (i32, i32) {
    %c0_i32 = arith.constant 0 : i32
    %c0_i32_0 = arith.constant 0 : i32
    %c0_i32_1 = arith.constant 0 : i32
    return %c0_i32, %c0_i32_0 : i32, i32
  }
  func.func @transform_3(%arg0: i32) -> (i32, i32) {
    %c0_i32 = arith.constant 0 : i32
    %c0_i32_0 = arith.constant 0 : i32
    return %arg0, %c0_i32 : i32, i32
  }
  func.func @transform_4(%arg0: i32) -> (i32, i32) {
    %c0_i32 = arith.constant 0 : i32
    %c0_i32_0 = arith.constant 0 : i32
    %c0_i32_1 = arith.constant 0 : i32
    return %c0_i32, %c0_i32_0 : i32, i32
  }
  func.func @transform_5(%arg0: i32) -> (i32, i32) {
    %c0_i32 = arith.constant 0 : i32
    %c0_i32_0 = arith.constant 0 : i32
    %c0_i32_1 = arith.constant 0 : i32
    return %c0_i32, %c0_i32_0 : i32, i32
  }
}

</mosaic_0001>

<sc_bundles>
// kernel: kernel.4.cloned.1.call-start
scs
__scs_entry_jumppad:
0x0: {  	(pc) =	sbr.rel $0x88, $3  }
0x1: {  	(tag) =	ssettag $0x0;
	lr =	simm.s32 $0x1  }
0x2: {  	[smem:$0x3F9F] =	sst lr;
	_ =	strace $0xD0000000  }
0x3: {  	_ = 	snop  }
0x4: {  	_ = 	snop  }
0x5: {  	_ = 	snop  }
0x6: {  	_ = 	snop  }
0x7: {  	_ = 	snop  }
__scs_overlays_trampoline_lowered:
0x8: {  	[smem:$0x3FAE] =	sst s0  }
0x9: {  	[smem:$0x3FAF] =	sst s1  }
0xa: {  	[smem:$0x3FB0] =	sst s2  }
0xb: {  	[smem:$0x3FB1] =	sst s3  }
0xc: {  	[smem:$0x3FB2] =	sst s4  }
0xd: {  	[smem:$0x3FB3] =	sst s5  }
0xe: {  	[smem:$0x3FB4] =	sst s6  }
0xf: {  	[smem:$0x3FB5] =	sst s7  }
0x10: {  	[smem:$0x3FB6] =	sst s8  }
0x11: {  	[smem:$0x3FB7] =	sst s9;
	s0 =	simm.s32 @!p0 $0x0  }
0x12: {  	s1 =	sld [smem:$0x3F9D];
	s0 =	simm.s32 @p0 $0x1  }
0x13: {  	[smem:$0x3FB8] =	sst s0;
	s0 =	simm.s32 @!p1 $0x0  }
0x14: {  	s2 =	sld [smem:$0x3F9C];
	s0 =	simm.s32 @p1 $0x1  }
0x15: {  	[smem:$0x3FB9] =	sst s0;
	s0 =	simm.s32 @!p2 $0x0  }
0x16: {  	s3 =	sld [smem:$0x3FDB];
	s0 =	simm.s32 @p2 $0x1  }
0x17: {  	s4 =	simm.s32 $0x1BF5;
	[smem:$0x3FBB] =	sst s0  }
0x18: {  	s0 =	sld [smem:$0x3F9E];
	_ =	swait.ge [sflag:s4], $0x0  }
0x19: {  	s7 =	sld [smem:$0x3F9F]  }
0x1a: {  	s8 =	sadd.s32 $0xFFFFE003, lr  }
0x1b: {  	s9 =	sadd.s32 $0xFFFFFEF7, lr;
	s5 =	simm.s32 $0xFFFFFFFF;
	p2 =	slt.u32 s8, $0xFFFFF086  }
0x1c: {  	p1 =	slt.u32 s9, $0xF7A;
	s5 =	simm.s32 @!p2 $0x0  }
0x1d: {  	s5 =	simm.s32 @p1 $0x1;
	p0 =	seq.s32 s7, s2  }
0x1e: {  	s7 =	smul.u32 @!p0 $0xF7A, s2;
	p2 =	seq.s32 @!p0 s5, $0x0  }
0x1f: {  	s9 =	smul.u32 $0xF7A, s1;
	s8 =	simm.s32 @!p0 $0x1BF5;
	p2 =	por !p2, p0  }
0x20: {  	[sflag:s8] =	ssyncset.s32 @!p0 $0xFFFFF086;
	s6 =	sadd.s32 @!p0 s3, s7;
	s7 =	simm.s32 @!p0 $0x108  }
0x21: {  	s3 =	sadd.s32 s3, s9;
	s6 =	sadd.s32 @!p0 $0x88, s6;
	s7 =	simm.s32 @p2 $0x1082  }
0x22: {  	[simem:s7], [sflag:s8] =	dma.local @!p0 [hbm:s6], $0xF7A  }
0x23: {  	s9 =	sor.u32 $0xD0000000, s2;
	s6 =	simm.s32 $0x108;
	_ =	swait.ge @!p0 [sflag:s8], $0x0  }
0x24: {  	s3 =	sadd.s32 $0x88, s3;
	s6 =	simm.s32 @!p1 $0x1082;
	[sflag:s4] =	ssyncset.s32 $0xFFFFF086  }
0x25: {  	[simem:s6], [sflag:s4] =	dma.local [hbm:s3], $0xF7A  }
0x26: {  	[smem:$0x3F9F] =	sst s1;
	(tag) =	ssettag s2;
	_ =	strace s9  }
0x27: {  	s1 =	sld [smem:$0x3FAF]  }
0x28: {  	s2 =	sld [smem:$0x3FB0]  }
0x29: {  	s4 =	sld [smem:$0x3FB2]  }
0x2a: {  	p0 =	seq.s32 s5, $0x0;
	s5 =	sld [smem:$0x3FB3]  }
0x2b: {  	s6 =	sld [smem:$0x3FB4]  }
0x2c: {  	s7 =	sld [smem:$0x3FB5]  }
0x2d: {  	s3 =	simm.s32 $0x108;
	s8 =	sld [smem:$0x3FB6]  }
0x2e: {  	s3 =	simm.s32 @!p0 $0x1082;
	s9 =	sld [smem:$0x3FB7]  }
0x2f: {  	lr =	sadd.s32 s0, s3;
	s0 =	sld [smem:$0x3FAE]  }
0x30: {  	s3 =	sld [smem:$0x3FB1]  }
0x31: {  	[smem:$0x3FBA] =	sst s10  }
0x32: {  	s10 =	sld [smem:$0x3FB8];
	_ =	sdelay $0x3  }
0x33: {  	p0 =	seq.s32 s10, $0x1;
	s10 =	sld [smem:$0x3FBA];
	_ =	sdelay $0x3  }
0x34: {  	[smem:$0x3FBA] =	sst s10  }
0x35: {  	s10 =	sld [smem:$0x3FB9];
	_ =	sdelay $0x3  }
0x36: {  	p1 =	seq.s32 s10, $0x1;
	s10 =	sld [smem:$0x3FBA];
	_ =	sdelay $0x3  }
0x37: {  	[smem:$0x3FBA] =	sst s10  }
0x38: {  	s10 =	sld [smem:$0x3FBB]  }
0x39: {  	_ = 	snop;
	(pc) =	sbr.ind lr, $3  }
0x3a: {  	_ = 	snop  }
0x3b: {  	_ = 	snop  }
0x3c: {  	p2 =	seq.s32 s10, $0x1;
	s10 =	sld [smem:$0x3FBA]  }
0x3d: {  	_ =	shalt  }
0x3e: {  	_ =	shalt  }
0x3f: {  	_ =	shalt  }
0x40: {  	_ =	shalt  }
0x41: {  	_ =	shalt  }
0x42: {  	_ =	shalt  }
0x43: {  	_ =	shalt  }
0x44: {  	_ =	shalt  }
0x45: {  	_ =	shalt  }
0x46: {  	_ =	shalt  }
0x47: {  	_ =	shalt  }
0x48: {  	_ =	shalt  }
0x49: {  	_ =	shalt  }
0x4a: {  	_ =	shalt  }
0x4b: {  	_ =	shalt  }
0x4c: {  	_ =	shalt  }
0x4d: {  	_ =	shalt  }
0x4e: {  	_ =	shalt  }
0x4f: {  	_ =	shalt  }
0x50: {  	_ =	shalt  }
0x51: {  	_ =	shalt  }
0x52: {  	_ =	shalt  }
0x53: {  	_ =	shalt  }
0x54: {  	_ =	shalt  }
0x55: {  	_ =	shalt  }
0x56: {  	_ =	shalt  }
0x57: {  	_ =	shalt  }
0x58: {  	_ =	shalt  }
0x59: {  	_ =	shalt  }
0x5a: {  	_ =	shalt  }
0x5b: {  	_ =	shalt  }
0x5c: {  	_ =	shalt  }
0x5d: {  	_ =	shalt  }
0x5e: {  	_ =	shalt  }
0x5f: {  	_ =	shalt  }
0x60: {  	_ =	shalt  }
0x61: {  	_ =	shalt  }
0x62: {  	_ =	shalt  }
0x63: {  	_ =	shalt  }
0x64: {  	_ =	shalt  }
0x65: {  	_ =	shalt  }
0x66: {  	_ =	shalt  }
0x67: {  	_ =	shalt  }
0x68: {  	_ =	shalt  }
0x69: {  	_ =	shalt  }
0x6a: {  	_ =	shalt  }
0x6b: {  	_ =	shalt  }
0x6c: {  	_ =	shalt  }
0x6d: {  	_ =	shalt  }
0x6e: {  	_ =	shalt  }
0x6f: {  	_ =	shalt  }
0x70: {  	_ =	shalt  }
0x71: {  	_ =	shalt  }
0x72: {  	_ =	shalt  }
0x73: {  	_ =	shalt  }
0x74: {  	_ =	shalt  }
0x75: {  	_ =	shalt  }
0x76: {  	_ =	shalt  }
0x77: {  	_ =	shalt  }
0x78: {  	_ =	shalt  }
0x79: {  	_ =	shalt  }
0x7a: {  	_ =	shalt  }
0x7b: {  	_ =	shalt  }
0x7c: {  	_ =	shalt  }
0x7d: {  	_ =	shalt  }
0x7e: {  	_ =	shalt  }
0x7f: {  	_ =	shalt  }
0x80: {  	_ =	shalt  }
0x81: {  	_ =	shalt  }
0x82: {  	_ =	shalt  }
0x83: {  	_ =	shalt  }
0x84: {  	_ =	shalt  }
0x85: {  	_ =	shalt  }
0x86: {  	_ =	shalt  }
0x87: {  	_ =	shalt  }
.Lfunc_end0:
.L_simem_size_0:
called_computation_lowered:
.L_overlay_start_0:
0x88: {  	s2 =	sld [smem:$0x3FD9]  }
0x89: {  	s3 =	sld [smem:$0x3FFE];
	_ =	sdelay $0x1  }
0x8a: {  	s1 =	srdreg.scid  }
0x8b: {  	s0 =	sand.u32 $0x1, s1  }
0x8c: {  	s14 =	sshll.u32 s0, $0xA;
	s2 =	sadd.s32 s3, s2  }
0x8d: {  	s2 =	sadd.s32 s2, s14  }
0x8e: {  	[smem:$0x3FC6] =	sst s2  }
0x8f: {  	_ = 	snop  }
0x90: {  	s2 =	sld [smem:$0x3FD0];
	_ =	sdelay $0x2  }
0x91: {  	s15 =	simm.s32 $0xA;
	s4 =	simm.s32 $0x10  }
0x92: {  	[smem:s4], [sflag:s15] =	dma.local [hbm:s2], $0x1  }
0x93: {  	_ =	swait.eq [sflag:s15], $0x1  }
0x94: {  	[sflag:s15] =	ssyncset.done $0x0  }
0x95: {  	[sflag:s15] =	ssyncadd.s32 $0xFFFFFFFF  }
0x96: {  	s16 =	sld [smem:$0x10];
	(tm) =	ssettm $0x1  }
0x97: {  	s17 =	sld [smem:$0x3FFB];
	_ =	sdelay $0x3  }
0x98: {  	_ =	strace s17  }
0x99: {  	s3 =	sld [smem:$0x3FFC];
	_ =	sdelay $0x3  }
0x9a: {  	_ =	strace s3  }
0x9b: {  	s3 =	sld [smem:$0x3FFD];
	_ =	sdelay $0x3  }
0x9c: {  	_ =	strace s3  }
0x9d: {  	_ =	strace $0x8FFFFFFF  }
0x9e: {  	s18 =	sld [smem:$0x3FDB];
	_ =	sdelay $0x1  }
0x9f: {  	s19 =	simm.s32 $_scs_section_size  }
0xa0: {  	s5 =	simm.s32 $_size__tile_overlayer_lowered;
	s6 =	simm.s32 $_tile_overlayer_lowered  }
0xa1: {  	s22 =	simm.s32 $0x1BFF;
	s21 =	sshll.u32 s6, $0x1;
	s3 =	sadd.s32 s19, s18  }
0xa2: {  	s7 =	simm.s32 $0x0;
	s20 =	sshll.u32 s5, $0x1;
	s5 =	sadd.s32 s21, s3  }
0xa3: {  	[timem:s7], [sflag:s22] =	dma.local [hbm:s5], s20  }
0xa4: {  	_ =	swait.ge [sflag:s22], s20  }
0xa5: {  	s4 =	ssub.s32 $0x0, s20;
	[sflag:s22] =	ssyncset.done $0x0  }
0xa6: {  	[sflag:s22] =	ssyncadd.s32 s4;
	_ =	sdelay $0x1  }
0xa7: {  	s23 =	simm.s32 $0x1B8B  }
0xa8: {  	_ =	swait.ge [sflag:s23], $0x1  }
0xa9: {  	[sflag:s23] =	ssyncset.done $0x0  }
0xaa: {  	s25 =	simm.s32 $0x1B8E;
	s24 =	sld [smem:$0x3FFE];
	[sflag:s23] =	ssyncadd.s32 $0xFFFFFFFF  }
0xab: {  	s26 =	simm.s32 $execute0_lowered;
	[smem:$0x3FD2] =	sst s25  }
0xac: {  	s5 =	sshll.u32 s26, $0x1;
	_ =	strace $0x80000046;
	[dreg:$0x1] =	wrdreg $0xFFFFFFFF  }
0xad: {  	s28 =	simm.s32 $_size_execute0_lowered;
	s3 =	sadd.s32 s3, s5;
	[dreg:$0x0] =	wrdreg $0x0  }
0xae: {  	s5 =	sshll.u32 s28, $0x1;
	[dreg:$0x2] =	wrdreg s3  }
0xaf: {  	[dreg:$0x3] =	wrdreg s5  }
0xb0: {  	[dreg:$0x4] =	wrdreg $0xC0  }
0xb1: {  	_ =	task [dreg:s7], $0x5FFFF  }
0xb2: {  	[dreg:$0x1] =	wrdreg $0xFFFFFFFF  }
0xb3: {  	[dreg:$0x0] =	wrdreg $0x60  }
0xb4: {  	[dreg:$0x2] =	wrdreg s16  }
0xb5: {  	[dreg:$0x3] =	wrdreg s24  }
0xb6: {  	[dreg:$0x4] =	wrdreg $0x9  }
0xb7: {  	_ =	task.clear_ibuf [dreg:s7], $0x5FFFF;
	_ =	strace $0x90000046  }
0xb8: {  	s29 =	simm.s32 $0x9;
	_ =	strace $0x80000048  }
0xb9: {  	_ =	swait.ge [sflag:s29], $0x1  }
0xba: {  	[sflag:s29] =	ssyncadd.s32 $0xFFFFFFFF  }
0xbb: {  	_ =	strace $0x90000048  }
0xbc: {  	_ =	sfence  }
0xbd: {  	s30 =	sld [smem:$0x0];
	_ =	sdelay $0x2  }
0xbe: {  	s31 =	sshll.u32 s1, $0xD;
	s1 =	sshrl.u32 s1, $0x2  }
0xbf: {  	s3 =	sand.u32 $0x4000, s31;
	s1 =	sadd.s32 s1, s30  }
0xc0: {  	s0 =	sor.u32 s3, s0;
	s1 =	sshll.u32 s1, $0x11  }
0xc1: {  	s0 =	sor.u32 s1, s0  }
0xc2: {  	s0 =	sadd.s32 $0x8F2B, s0  }
0xc3: {  	[sflag:s0] =	ssyncadd.remote.s32 $0x1  }
0xc4: {  	_ =	sfence.sel $0xFFFF  }
0xc5: {  	[dreg:$0x0] =	wrdreg $0xFFFFFFFF;
	(pc) =	sbr.abs _section_cstart, $3  }
0xc6: {  	[dreg:$0x1] =	wrdreg $0xFFFFFFFF  }
0xc7: {  	_ =	task.clear_ibuf [dreg:s7], $0x2FFFF;
	_ =	strace $0x9FFFFFFF  }
0xc8: {  	(tm) =	ssettm $0x7FFFFFFF  }
0xc9: {  	_ =	shalt  }
tec
execute0_lowered:
.L_overlay_start_1:
0x0: {  	(tag) =	ssettag $0x1  }
0x1: {  	s1 =	srdreg.scid;
	s0 =	stileid.u32  }
0x2: {  	s2 =	rddreg [dreg:$0x0];
	s25 =	sand.u32 $0x1, s1;
	s31 =	sshll.u32 s0, $0x1  }
0x3: {  	s24 =	rddreg [dreg:$0x1];
	s26 =	sor.u32 s25, s31  }
0x4: {  	s3 =	simm.s32 $0x0;
	s1 =	rddreg [dreg:$0x2];
	s4 =	smul.u32 $0x90, s26  }
0x5: {  	[smem:$0x7FF] =	sst s3  }
0x6: {  	_ =	strace $0x80000047;
	s5 =	sadd.s32 s24, s4;
	s4 =	simm.s32 $0x2  }
0x7: {  	[tilespmem:s3], [sflag:$0x2] =	stream.linear.gather [hbm4b:s5+s3], $0x480, $0x38;
	[tilespmem:$0x12480] =	vst v63  }
0x8: {  	_ =	swait.ge [sflag:s4], $0x480  }
0x9: {  	[sflag:s4] =	ssyncset.done $0x0  }
0xa: {  	s6 =	simm.s32 $0x80;
	s7 =	simm.s32 $0x480;
	[sflag:s4] =	ssyncadd.s32 $0xFFFFFB80  }
0xb: {  	[tilespmem:s7], [sflag:$0x1] =	stream.indirect.gather [hbm4b:s2+s6], $0x40, s3, s6, $0xb8;
	[tilespmem:$0x12480] =	vst v63  }
0xc: {  	s8 =	simm.s32 $0x2480  }
0xd: {  	[tilespmem:s8], [sflag:$0x1] =	stream.indirect.gather [hbm4b:s2+s6], $0x40, s6, s6, $0xb8;
	[tilespmem:$0x12480] =	vst v63  }
0xe: {  	s9 =	simm.s32 $0x100;
	s10 =	simm.s32 $0x4480  }
0xf: {  	[tilespmem:s10], [sflag:$0x1] =	stream.indirect.gather [hbm4b:s2+s6], $0x40, s9, s6, $0xb8;
	[tilespmem:$0x12480] =	vst v63  }
0x10: {  	s11 =	simm.s32 $0x180;
	s12 =	simm.s32 $0x6480  }
0x11: {  	[tilespmem:s12], [sflag:$0x1] =	stream.indirect.gather [hbm4b:s2+s6], $0x40, s11, s6, $0xb8;
	[tilespmem:$0x12480] =	vst v63  }
0x12: {  	s13 =	simm.s32 $0x200;
	s14 =	simm.s32 $0x8480  }
0x13: {  	[tilespmem:s14], [sflag:$0x1] =	stream.indirect.gather [hbm4b:s2+s6], $0x40, s13, s6, $0xb8;
	[tilespmem:$0x12480] =	vst v63  }
0x14: {  	s15 =	simm.s32 $0x280;
	s16 =	simm.s32 $0xA480  }
0x15: {  	[tilespmem:s16], [sflag:$0x1] =	stream.indirect.gather [hbm4b:s2+s6], $0x40, s15, s6, $0xb8;
	[tilespmem:$0x12480] =	vst v63  }
0x16: {  	s17 =	simm.s32 $0x300;
	s18 =	simm.s32 $0xC480  }
0x17: {  	[tilespmem:s18], [sflag:$0x1] =	stream.indirect.gather [hbm4b:s2+s6], $0x40, s17, s6, $0xb8;
	[tilespmem:$0x12480] =	vst v63  }
0x18: {  	s19 =	simm.s32 $0x380;
	s20 =	simm.s32 $0xE480  }
0x19: {  	[tilespmem:s20], [sflag:$0x1] =	stream.indirect.gather [hbm4b:s2+s6], $0x40, s19, s6, $0xb8;
	[tilespmem:$0x12480] =	vst v63  }
0x1a: {  	s21 =	simm.s32 $0x400;
	s22 =	simm.s32 $0x10480;
	s23 =	simm.s32 $0x1  }
0x1b: {  	[tilespmem:s22], [sflag:$0x1] =	stream.indirect.gather [hbm4b:s2+s6], $0x40, s21, s6, $0xb8;
	[tilespmem:$0x12480] =	vst v63  }
0x1c: {  	_ =	swait.ge [sflag:s23], $0x2000  }
0x1d: {  	[sflag:s23] =	ssyncset.done $0x0  }
0x1e: {  	[sflag:s23] =	ssyncadd.s32 $0xFFFFE000  }
0x1f: {  	_ =	swait.ge [sflag:s23], $0x2000  }
0x20: {  	[sflag:s23] =	ssyncset.done $0x0  }
0x21: {  	[sflag:s23] =	ssyncadd.s32 $0xFFFFE000  }
0x22: {  	_ =	swait.ge [sflag:s23], $0x2000  }
0x23: {  	[sflag:s23] =	ssyncset.done $0x0  }
0x24: {  	[sflag:s23] =	ssyncadd.s32 $0xFFFFE000  }
0x25: {  	_ =	swait.ge [sflag:s23], $0x2000  }
0x26: {  	[sflag:s23] =	ssyncset.done $0x0  }
0x27: {  	[sflag:s23] =	ssyncadd.s32 $0xFFFFE000  }
0x28: {  	_ =	swait.ge [sflag:s23], $0x2000  }
0x29: {  	[sflag:s23] =	ssyncset.done $0x0  }
0x2a: {  	[sflag:s23] =	ssyncadd.s32 $0xFFFFE000  }
0x2b: {  	_ =	swait.ge [sflag:s23], $0x2000  }
0x2c: {  	[sflag:s23] =	ssyncset.done $0x0  }
0x2d: {  	[sflag:s23] =	ssyncadd.s32 $0xFFFFE000  }
0x2e: {  	_ =	swait.ge [sflag:s23], $0x2000  }
0x2f: {  	[sflag:s23] =	ssyncset.done $0x0  }
0x30: {  	s25 =	ssub.s32 $0x2, s25;
	[sflag:s23] =	ssyncadd.s32 $0xFFFFE000  }
0x31: {  	s28 =	sshrl.u32 s25, $0x1;
	_ =	swait.ge [sflag:s23], $0x2000  }
0x32: {  	s25 =	ssub.s32 s25, s28;
	[sflag:s23] =	ssyncset.done $0x0  }
0x33: {  	s26 =	smul.u32 $0x2400, s26;
	s25 =	smax.u32 s25, $0x1;
	[sflag:s23] =	ssyncadd.s32 $0xFFFFE000  }
0x34: {  	p0 =	sne.s32 s25, $0x1;
	_ =	swait.ge [sflag:s23], $0x2000  }
.Ltmp0:
0x35: {  	s24 =	sadd.s32 s26, s24;
	[sflag:s23] =	ssyncset.done $0x0;
	(pc) =	sbr.rel @!p0 .LBB2_2-.Ltmp0, $4  }
0x36: {  	s24 =	sadd.s32 $0x1200, s24;
	[sflag:s23] =	ssyncadd.s32 $0xFFFFE000  }
0x37: {  	[hbm4b:s24+s3] =	stream.linear.scatter [tilespmem:s7], [sflag:$0x2], $0x12000, $0x38;
	[tilespmem:$0x12480] =	vst v63  }
0x38: {  	_ =	swait.ge [sflag:s4], $0x12000  }
0x39: {  	s25 =	sadd.s32 $0xFFFFFFFF, s25;
	[sflag:s4] =	ssyncset.done $0x0  }
.LBB2_1:
0x3a: {  	p0 =	sne.s32 s25, $0x1;
	s25 =	sadd.s32 $0xFFFFFFFF, s25;
	[sflag:s4] =	ssyncadd.s32 $0xFFFEE000  }
0x3b: {  	[tilespmem:s3], [sflag:$0x2] =	stream.linear.gather [hbm4b:s5+s3], $0x480, $0x38;
	[tilespmem:$0x12480] =	vst v63  }
0x3c: {  	_ =	swait.ge [sflag:s4], $0x480  }
0x3d: {  	[sflag:s4] =	ssyncset.done $0x0  }
0x3e: {  	[sflag:s4] =	ssyncadd.s32 $0xFFFFFB80  }
0x3f: {  	[tilespmem:s7], [sflag:$0x1] =	stream.indirect.gather [hbm4b:s2+s6], $0x40, s3, s6, $0xb8;
	[tilespmem:$0x12480] =	vst v63  }
0x40: {  	_ = 	snop  }
0x41: {  	[tilespmem:s8], [sflag:$0x1] =	stream.indirect.gather [hbm4b:s2+s6], $0x40, s6, s6, $0xb8;
	[tilespmem:$0x12480] =	vst v63  }
0x42: {  	_ = 	snop  }
0x43: {  	[tilespmem:s10], [sflag:$0x1] =	stream.indirect.gather [hbm4b:s2+s6], $0x40, s9, s6, $0xb8;
	[tilespmem:$0x12480] =	vst v63  }
0x44: {  	_ = 	snop  }
0x45: {  	[tilespmem:s12], [sflag:$0x1] =	stream.indirect.gather [hbm4b:s2+s6], $0x40, s11, s6, $0xb8;
	[tilespmem:$0x12480] =	vst v63  }
0x46: {  	_ = 	snop  }
0x47: {  	[tilespmem:s14], [sflag:$0x1] =	stream.indirect.gather [hbm4b:s2+s6], $0x40, s13, s6, $0xb8;
	[tilespmem:$0x12480] =	vst v63  }
0x48: {  	_ = 	snop  }
0x49: {  	[tilespmem:s16], [sflag:$0x1] =	stream.indirect.gather [hbm4b:s2+s6], $0x40, s15, s6, $0xb8;
	[tilespmem:$0x12480] =	vst v63  }
0x4a: {  	_ = 	snop  }
0x4b: {  	[tilespmem:s18], [sflag:$0x1] =	stream.indirect.gather [hbm4b:s2+s6], $0x40, s17, s6, $0xb8;
	[tilespmem:$0x12480] =	vst v63  }
0x4c: {  	_ = 	snop  }
0x4d: {  	[tilespmem:s20], [sflag:$0x1] =	stream.indirect.gather [hbm4b:s2+s6], $0x40, s19, s6, $0xb8;
	[tilespmem:$0x12480] =	vst v63  }
0x4e: {  	_ = 	snop  }
0x4f: {  	[tilespmem:s22], [sflag:$0x1] =	stream.indirect.gather [hbm4b:s2+s6], $0x40, s21, s6, $0xb8;
	[tilespmem:$0x12480] =	vst v63  }
0x50: {  	_ =	swait.ge [sflag:s23], $0x2000  }
0x51: {  	[sflag:s23] =	ssyncset.done $0x0  }
0x52: {  	[sflag:s23] =	ssyncadd.s32 $0xFFFFE000  }
0x53: {  	_ =	swait.ge [sflag:s23], $0x2000  }
0x54: {  	[sflag:s23] =	ssyncset.done $0x0  }
0x55: {  	[sflag:s23] =	ssyncadd.s32 $0xFFFFE000  }
0x56: {  	_ =	swait.ge [sflag:s23], $0x2000  }
0x57: {  	[sflag:s23] =	ssyncset.done $0x0  }
0x58: {  	[sflag:s23] =	ssyncadd.s32 $0xFFFFE000  }
0x59: {  	_ =	swait.ge [sflag:s23], $0x2000  }
0x5a: {  	[sflag:s23] =	ssyncset.done $0x0  }
0x5b: {  	[sflag:s23] =	ssyncadd.s32 $0xFFFFE000  }
0x5c: {  	_ =	swait.ge [sflag:s23], $0x2000  }
0x5d: {  	[sflag:s23] =	ssyncset.done $0x0  }
0x5e: {  	[sflag:s23] =	ssyncadd.s32 $0xFFFFE000  }
0x5f: {  	_ =	swait.ge [sflag:s23], $0x2000  }
0x60: {  	[sflag:s23] =	ssyncset.done $0x0  }
0x61: {  	[sflag:s23] =	ssyncadd.s32 $0xFFFFE000  }
0x62: {  	_ =	swait.ge [sflag:s23], $0x2000  }
0x63: {  	[sflag:s23] =	ssyncset.done $0x0  }
0x64: {  	[sflag:s23] =	ssyncadd.s32 $0xFFFFE000  }
0x65: {  	_ =	swait.ge [sflag:s23], $0x2000  }
0x66: {  	[sflag:s23] =	ssyncset.done $0x0  }
0x67: {  	[sflag:s23] =	ssyncadd.s32 $0xFFFFE000  }
0x68: {  	_ =	swait.ge [sflag:s23], $0x2000  }
.Ltmp1:
0x69: {  	[sflag:s23] =	ssyncset.done $0x0;
	(pc) =	sbr.rel @p0 .LBB2_1-.Ltmp1, $4  }
0x6a: {  	[sflag:s23] =	ssyncadd.s32 $0xFFFFE000  }
0x6b: {  	[hbm4b:s24+s3] =	stream.linear.scatter [tilespmem:s7], [sflag:$0x2], $0x12000, $0x38;
	[tilespmem:$0x12480] =	vst v63  }
0x6c: {  	_ =	swait.ge [sflag:s4], $0x12000  }
0x6d: {  	[sflag:s4] =	ssyncset.done $0x0  }
.LBB2_2:
0x6e: {  	[sflag:s4] =	ssyncadd.s32 $0xFFFEE000  }
0x6f: {  	_ =	sfence.sel $0x180000  }
0x70: {  	[bflag:$0x0] =	sbarrier.arrive $0xFFFF  }
0x71: {  	p0 =	sne.s32 s0, $0x0;
	_ =	strace $0x90000047  }
0x72: {  	s0 =	sadd.s32 @!p0 $0x100000, s1;
	[bflag:$0x2] =	sbarrier.arrive $0xFFFF  }
0x73: {  	[sflag:s0] =	ssyncadd.tile.s32 @!p0 $0x1;
	_ =	shalt  }
.Lfunc_end2:
_tile_overlayer_lowered:
.L_overlay_start_2:
0x74: {  	(tag) =	ssettag $0x2  }
0x75: {  	s0 =	rddreg [dreg:$0x0];
	s2 =	stileid.u32  }
0x76: {  	s1 =	rddreg [dreg:$0x1];
	p0 =	sne.s32 s2, $0x0  }
0x77: {  	s3 =	rddreg [dreg:$0x2];
	[bflag:$0x3] =	sbarrier.arrive $0xFFFF;
	s2 =	simm.s32 @!p0 $0x1C02  }
0x78: {  	[timem:s3], [sflag:s2] =	dma.local @!p0 [hbm:s0], s1  }
0x79: {  	s0 =	simm.s32 @!p0 $0x2  }
0x7a: {  	_ =	swait.ge @!p0 [sflag:s0], s1  }
0x7b: {  	s1 =	ssub.s32 @!p0 $0x0, s1;
	[sflag:s0] =	ssyncset.done @!p0 $0x0  }
0x7c: {  	[sflag:s0] =	ssyncadd.s32 @!p0 s1  }
0x7d: {  	[bflag:$0x3] =	sbarrier.arrive $0xFFFF  }
0x7e: {  	_ =	shalt  }

</sc_bundles>
